<compile_context>
chip_gen: v7x
topology: tpu7x:2x2x1
jax: 0.10.2.dev20260603
libtpu: 0.0.44.dev20260713+nightly
codegen_flags: <defaults>
</compile_context>

<pallas_src>
import functools

import jax
import jax.numpy as jnp
from jax import lax
from jax.experimental import pallas as pl
from jax.experimental.pallas import tpu as pltpu
from jax.experimental.pallas import tpu_sc as plsc

CLS_NUM = 1000
D = 512
N_PREFIX = 3
N_SUFFIX = 2
N_CTX = N_PREFIX + N_SUFFIX
N_CLS_TOK = 3
CTX_LEN = 77
PAD_SIZE = CTX_LEN - (N_CTX + N_CLS_TOK + 2)
PAD_LEN = 75
HEAD = 8
TAIL = CTX_LEN - HEAD

NC = 2
NS = 16
NW = NC * NS
MAX_PER_W = (CLS_NUM + NW - 1) // NW

B = 125
NSTEPS = CLS_NUM // B


def _tc_body(ctx_ref, sot_ref, eot_ref, pad_ref, cls_ref, head_ref, tail_ref):
    b = head_ref.shape[0]
    head_ref[:, 0:1, :] = jnp.broadcast_to(sot_ref[0, :, :][None], (b, 1, D))
    head_ref[:, 1:4, :] = jnp.broadcast_to(
        ctx_ref[0, 0:N_PREFIX, :][None], (b, N_PREFIX, D))
    head_ref[:, 4:7, :] = cls_ref[:, :, :]
    head_ref[:, 7:8, :] = jnp.broadcast_to(
        ctx_ref[0, N_PREFIX:N_PREFIX + 1, :][None], (b, 1, D))
    tail_ref[0:1, :] = ctx_ref[0, N_PREFIX + 1:, :]
    tail_ref[1:2, :] = eot_ref[0, :, :]
    tail_ref[2:, :] = pad_ref[0, 0:PAD_SIZE, :]


def kernel(ctx, emb_sot, emb_cls, emb_eot, emb_pad):
    head8, tail69 = pl.pallas_call(
        _tc_body,
        grid=(NSTEPS,),
        in_specs=[
            pl.BlockSpec((1, N_CTX, D), lambda i: (0, 0, 0)),
            pl.BlockSpec((1, 1, D), lambda i: (0, 0, 0)),
            pl.BlockSpec((1, 1, D), lambda i: (0, 0, 0)),
            pl.BlockSpec((1, PAD_LEN, D), lambda i: (0, 0, 0)),
            pl.BlockSpec((B, N_CLS_TOK, D), lambda i: (i, 0, 0)),
        ],
        out_specs=[
            pl.BlockSpec((B, HEAD, D), lambda i: (i, 0, 0)),
            pl.BlockSpec((TAIL, D), lambda i: (0, 0)),
        ],
        out_shape=[
            jax.ShapeDtypeStruct((CLS_NUM, HEAD, D), jnp.float32),
            jax.ShapeDtypeStruct((TAIL, D), jnp.float32),
        ],
    )(ctx, emb_sot, emb_eot, emb_pad, emb_cls)

    mesh = plsc.VectorSubcoreMesh(core_axis_name="c", subcore_axis_name="s")

    @functools.partial(
        pl.kernel,
        mesh=mesh,
        out_type=jax.ShapeDtypeStruct((CLS_NUM, CTX_LEN, D), jnp.float32),
        scratch_types=[
            pltpu.VMEM((TAIL, D), jnp.float32),
            pltpu.SemaphoreType.DMA,
        ],
    )
    def sc_kernel(head_hbm, tail_hbm, out_hbm, tmpl, sem):
        cid = lax.axis_index("c")
        sid = lax.axis_index("s")
        wid = sid * NC + cid

        pltpu.sync_copy(tail_hbm, tmpl)

        def class_copies(c):
            return (
                pltpu.make_async_copy(
                    head_hbm.at[c], out_hbm.at[c, pl.ds(0, HEAD)], sem),
                pltpu.make_async_copy(
                    tmpl, out_hbm.at[c, pl.ds(HEAD, TAIL)], sem),
            )

        @pl.loop(0, MAX_PER_W)
        def _issue(i):
            c = wid + i * NW

            @pl.when(c < CLS_NUM)
            def _():
                for cp in class_copies(c):
                    cp.start()

        @pl.loop(0, MAX_PER_W)
        def _drain(i):
            c = wid + i * NW

            @pl.when(c < CLS_NUM)
            def _():
                for cp in class_copies(c):
                    cp.wait()

    return sc_kernel(head8, tail69)

# --- scband reference (transcript-rebuilt; emitter-appended) ---
"""Pipeline reference for scband-easy-prompt-learner-23338852287057 (READ-ONLY COPY).

The authoritative reference and input builder live on the scoring server;
editing this copy changes nothing except your own understanding.
"""

import jax, jax.numpy as jnp
import numpy as np

CLS_NUM = 1000
D = 512
N_PREFIX = 3   # ctx tokens before [CLS] ('a','photo','of')
N_SUFFIX = 2   # ctx tokens after [CLS] ('with','ground')
N_CTX = N_PREFIX + N_SUFFIX
N_CLS_TOK = 3  # tokens per classname (fixed for all classes)
CTX_LEN = 77   # CLIP context length
PAD_LEN = 75   # tokenize('')[:, 2:] length


def setup_inputs(seed: int = 0) -> dict:
    key = jax.random.key(seed)
    k0, k1, k2, k3, k4 = jax.random.split(key, 5)
    return {
        "ctx": jax.random.normal(k0, (1, N_CTX, D), dtype=jnp.float32) * 0.02,
        "emb_sot": jax.random.normal(k1, (1, 1, D), dtype=jnp.float32) * 0.02,
        "emb_cls": jax.random.normal(k2, (CLS_NUM, N_CLS_TOK, D), dtype=jnp.float32) * 0.02,
        "emb_eot": jax.random.normal(k3, (1, 1, D), dtype=jnp.float32) * 0.02,
        "emb_pad": jax.random.normal(k4, (1, PAD_LEN, D), dtype=jnp.float32) * 0.02,
    }


def reference(ctx, emb_sot, emb_cls, emb_eot, emb_pad):
    # Faithful translation of EasyPromptLearner.build_ctx with uniform classname
    # token length: per-class prompt = [sot | ctx_prefix | cls_tokens | ctx_suffix | eot | pad]
    splt_idx = N_PREFIX - 1
    # indc[i] = N_CLS_TOK + 2 for every class (sot + cls tokens + eot position)
    pad_size = CTX_LEN - (ctx.shape[1] + (N_CLS_TOK + 2))
    C = emb_cls.shape[0]

    def tile(x):
        return jnp.broadcast_to(x, (C, x.shape[1], x.shape[2]))

    prompts = jnp.concatenate(
        [
            tile(emb_sot),                      # [C, 1, D]
            tile(ctx[:, : splt_idx + 1]),       # [C, N_PREFIX, D]
            emb_cls,                            # [C, N_CLS_TOK, D]
            tile(ctx[:, splt_idx + 1 :]),       # [C, N_SUFFIX, D]
            tile(emb_eot),                      # [C, 1, D]
            tile(emb_pad[:, :pad_size]),        # [C, pad_size, D]
        ],
        axis=1,
    )
    return prompts  # [CLS_NUM, 77, D]

if __name__ == "__main__":
    import jax
    _d = setup_inputs()
    print(jax.jit(kernel)(*tuple(_d.values())))

</pallas_src>

<mosaic_0001>
#map = affine_map<(d0, d1) -> (0, 0, 0)>
#map1 = affine_map<(d0, d1) -> (0, 0)>
module attributes {stable_mosaic.version = 14 : i64} {
  func.func @sc_kernel(%arg0: i32, %arg1: i32, %arg2: memref<1000x8x512xf32, #tpu.memory_space<hbm>>, %arg3: memref<69x512xf32, #tpu.memory_space<hbm>>, %arg4: memref<1000x77x512xf32, #tpu.memory_space<hbm>>, %arg5: memref<69x512xf32, #tpu.memory_space<vmem>>, %arg6: memref<!tpu.dma_semaphore, #tpu.memory_space<semaphore_mem>>) attributes {dimension_semantics = [#tpu.dimension_semantics<core_parallel>, #tpu.dimension_semantics<subcore_parallel>], iteration_bounds = array<i64: 2, 16>, scalar_prefetch = 0 : i64, scratch_operands = 2 : i64, tpu.core_type = #tpu.core_type<sc_vector_subcore>, window_params = [{transform_indices = #map}, {transform_indices = #map1}, {transform_indices = #map}]} {
    %mul3A = arith.constant 2 : i32
    %mul3A_0 = arith.muli %arg1, %mul3A : i32
    %add3A = arith.addi %mul3A_0, %arg0 : i32
    "tpu.region"() ({
      %run_scoped3A = tpu.sem_alloc : memref<!tpu.dma_semaphore, #tpu.memory_space<semaphore_mem>>
      tpu.enqueue_dma source(%arg3 : memref<69x512xf32, #tpu.memory_space<hbm>>) target(%arg5 : memref<69x512xf32, #tpu.memory_space<vmem>>) target_semaphore(%run_scoped3A : memref<!tpu.dma_semaphore, #tpu.memory_space<semaphore_mem>>)
      tpu.wait_dma2 semaphore(%run_scoped3A : memref<!tpu.dma_semaphore, #tpu.memory_space<semaphore_mem>>) src(%arg3 : memref<69x512xf32, #tpu.memory_space<hbm>>) dst(%arg5 : memref<69x512xf32, #tpu.memory_space<vmem>>)
      tpu.yield
    }) : () -> ()
    %scan3A = arith.constant 0 : i32
    %scan3A_1 = arith.constant 32 : i32
    %scan3A_2 = arith.addi %scan3A, %scan3A_1 : i32
    %scan3A_3 = arith.constant 1 : i32
    scf.for %scan3A_10 = %scan3A to %scan3A_2 step %scan3A_3  : i32 {
      %mul3A_11 = arith.constant 1 : i32
      %mul3A_12 = arith.muli %scan3A_10, %mul3A_11 : i32
      %add3A_13 = arith.constant 0 : i32
      %add3A_14 = arith.addi %add3A_13, %mul3A_12 : i32
      %mul3A_15 = arith.constant 32 : i32
      %mul3A_16 = arith.muli %add3A_14, %mul3A_15 : i32
      %add3A_17 = arith.addi %add3A, %mul3A_16 : i32
      %lt3A = arith.constant 1000 : i32
      %lt3A_18 = arith.cmpi slt, %add3A_17, %lt3A : i32
      %convert_element_type3A = arith.extui %lt3A_18 : i1 to i32
      %cond3A = arith.constant 0 : i32
      %cond3A_19 = arith.cmpi ne, %convert_element_type3A, %cond3A : i32
      scf.if %cond3A_19 {
        %dma_start3A = arith.constant 0 : i32
        %dma_start3A_20 = arith.constant 0 : i32
        %dma_start3A_21 = tpu.memref_slice %arg4[%add3A_17, %dma_start3A, %dma_start3A_20] : memref<1000x77x512xf32, #tpu.memory_space<hbm>> -> memref<1x8x512xf32, #tpu.memory_space<hbm>>
        %dma_start3A_22 = tpu.memref_squeeze %dma_start3A_21 : memref<1x8x512xf32, #tpu.memory_space<hbm>> -> memref<8x512xf32, #tpu.memory_space<hbm>>
        %dma_start3A_23 = arith.constant 0 : i32
        %dma_start3A_24 = arith.constant 0 : i32
        %dma_start3A_25 = tpu.memref_slice %arg2[%add3A_17, %dma_start3A_23, %dma_start3A_24] : memref<1000x8x512xf32, #tpu.memory_space<hbm>> -> memref<1x8x512xf32, #tpu.memory_space<hbm>>
        %dma_start3A_26 = tpu.memref_squeeze %dma_start3A_25 : memref<1x8x512xf32, #tpu.memory_space<hbm>> -> memref<8x512xf32, #tpu.memory_space<hbm>>
        tpu.enqueue_dma source(%dma_start3A_26 : memref<8x512xf32, #tpu.memory_space<hbm>>) target(%dma_start3A_22 : memref<8x512xf32, #tpu.memory_space<hbm>>) target_semaphore(%arg6 : memref<!tpu.dma_semaphore, #tpu.memory_space<semaphore_mem>>)
        %dma_start3A_27 = arith.constant 8 : i32
        %dma_start3A_28 = arith.constant 0 : i32
        %dma_start3A_29 = tpu.memref_slice %arg4[%add3A_17, %dma_start3A_27, %dma_start3A_28] : memref<1000x77x512xf32, #tpu.memory_space<hbm>> -> memref<1x69x512xf32, #tpu.memory_space<hbm>>
        %dma_start3A_30 = tpu.memref_squeeze %dma_start3A_29 : memref<1x69x512xf32, #tpu.memory_space<hbm>> -> memref<69x512xf32, #tpu.memory_space<hbm>>
        %dma_start3A_31 = arith.constant 8 : i32
        %dma_start3A_32 = arith.constant 0 : i32
        %dma_start3A_33 = tpu.memref_slice %arg4[%add3A_17, %dma_start3A_31, %dma_start3A_32] : memref<1000x77x512xf32, #tpu.memory_space<hbm>> -> memref<1x69x512xf32, #tpu.memory_space<hbm>>
        %dma_start3A_34 = tpu.memref_squeeze %dma_start3A_33 : memref<1x69x512xf32, #tpu.memory_space<hbm>> -> memref<69x512xf32, #tpu.memory_space<hbm>>
        tpu.enqueue_dma source(%arg5 : memref<69x512xf32, #tpu.memory_space<vmem>>) target(%dma_start3A_34 : memref<69x512xf32, #tpu.memory_space<hbm>>) target_semaphore(%arg6 : memref<!tpu.dma_semaphore, #tpu.memory_space<semaphore_mem>>)
      } else {
      }
    }
    %scan3A_4 = arith.constant 32 : i32
    %scan3A_5 = arith.constant 0 : i32
    %scan3A_6 = arith.constant 32 : i32
    %scan3A_7 = arith.addi %scan3A_5, %scan3A_6 : i32
    %scan3A_8 = arith.constant 1 : i32
    scf.for %scan3A_10 = %scan3A_5 to %scan3A_7 step %scan3A_8  : i32 {
      %mul3A_11 = arith.constant 1 : i32
      %mul3A_12 = arith.muli %scan3A_10, %mul3A_11 : i32
      %add3A_13 = arith.constant 0 : i32
      %add3A_14 = arith.addi %add3A_13, %mul3A_12 : i32
      %mul3A_15 = arith.constant 32 : i32
      %mul3A_16 = arith.muli %add3A_14, %mul3A_15 : i32
      %add3A_17 = arith.addi %add3A, %mul3A_16 : i32
      %lt3A = arith.constant 1000 : i32
      %lt3A_18 = arith.cmpi slt, %add3A_17, %lt3A : i32
      %convert_element_type3A = arith.extui %lt3A_18 : i1 to i32
      %cond3A = arith.constant 0 : i32
      %cond3A_19 = arith.cmpi ne, %convert_element_type3A, %cond3A : i32
      scf.if %cond3A_19 {
        %dma_wait3A = arith.constant 0 : i32
        %dma_wait3A_20 = arith.constant 0 : i32
        %dma_wait3A_21 = tpu.memref_slice %arg4[%add3A_17, %dma_wait3A, %dma_wait3A_20] : memref<1000x77x512xf32, #tpu.memory_space<hbm>> -> memref<1x8x512xf32, #tpu.memory_space<hbm>>
        %dma_wait3A_22 = tpu.memref_squeeze %dma_wait3A_21 : memref<1x8x512xf32, #tpu.memory_space<hbm>> -> memref<8x512xf32, #tpu.memory_space<hbm>>
        %dma_wait3A_23 = arith.constant 0 : i32
        %dma_wait3A_24 = arith.constant 0 : i32
        %dma_wait3A_25 = tpu.memref_slice %arg2[%add3A_17, %dma_wait3A_23, %dma_wait3A_24] : memref<1000x8x512xf32, #tpu.memory_space<hbm>> -> memref<1x8x512xf32, #tpu.memory_space<hbm>>
        %dma_wait3A_26 = tpu.memref_squeeze %dma_wait3A_25 : memref<1x8x512xf32, #tpu.memory_space<hbm>> -> memref<8x512xf32, #tpu.memory_space<hbm>>
        tpu.wait_dma2 semaphore(%arg6 : memref<!tpu.dma_semaphore, #tpu.memory_space<semaphore_mem>>) src(%dma_wait3A_26 : memref<8x512xf32, #tpu.memory_space<hbm>>) dst(%dma_wait3A_22 : memref<8x512xf32, #tpu.memory_space<hbm>>)
        %dma_wait3A_27 = arith.constant 8 : i32
        %dma_wait3A_28 = arith.constant 0 : i32
        %dma_wait3A_29 = tpu.memref_slice %arg4[%add3A_17, %dma_wait3A_27, %dma_wait3A_28] : memref<1000x77x512xf32, #tpu.memory_space<hbm>> -> memref<1x69x512xf32, #tpu.memory_space<hbm>>
        %dma_wait3A_30 = tpu.memref_squeeze %dma_wait3A_29 : memref<1x69x512xf32, #tpu.memory_space<hbm>> -> memref<69x512xf32, #tpu.memory_space<hbm>>
        %dma_wait3A_31 = arith.constant 8 : i32
        %dma_wait3A_32 = arith.constant 0 : i32
        %dma_wait3A_33 = tpu.memref_slice %arg4[%add3A_17, %dma_wait3A_31, %dma_wait3A_32] : memref<1000x77x512xf32, #tpu.memory_space<hbm>> -> memref<1x69x512xf32, #tpu.memory_space<hbm>>
        %dma_wait3A_34 = tpu.memref_squeeze %dma_wait3A_33 : memref<1x69x512xf32, #tpu.memory_space<hbm>> -> memref<69x512xf32, #tpu.memory_space<hbm>>
        tpu.wait_dma2 semaphore(%arg6 : memref<!tpu.dma_semaphore, #tpu.memory_space<semaphore_mem>>) src(%arg5 : memref<69x512xf32, #tpu.memory_space<vmem>>) dst(%dma_wait3A_34 : memref<69x512xf32, #tpu.memory_space<hbm>>)
      } else {
      }
    }
    %scan3A_9 = arith.constant 32 : i32
    return
  }
}

module attributes {stable_mosaic.version = 14 : i64} {
  func.func @_tc_body(%arg0: i32, %arg1: memref<1x5x512xf32, #tpu.memory_space<vmem>>, %arg2: memref<1x1x512xf32, #tpu.memory_space<vmem>>, %arg3: memref<1x1x512xf32, #tpu.memory_space<vmem>>, %arg4: memref<1x75x512xf32, #tpu.memory_space<vmem>>, %arg5: memref<125x3x512xf32, #tpu.memory_space<vmem>>, %arg6: memref<125x8x512xf32, #tpu.memory_space<vmem>>, %arg7: memref<69x512xf32, #tpu.memory_space<vmem>>) attributes {dimension_semantics = [#tpu.dimension_semantics<arbitrary>], iteration_bounds = array<i64: 8>, scalar_prefetch = 0 : i64, scratch_operands = 0 : i64, tpu.core_type = #tpu.core_type<tc>, window_params = [{pipeline_mode = #tpu.pipeline_mode<synchronous>, transform_indices = @transform_0, window_bounds = array<i64: 1, 5, 512>}, {pipeline_mode = #tpu.pipeline_mode<synchronous>, transform_indices = @transform_1, window_bounds = array<i64: 1, 1, 512>}, {pipeline_mode = #tpu.pipeline_mode<synchronous>, transform_indices = @transform_2, window_bounds = array<i64: 1, 1, 512>}, {pipeline_mode = #tpu.pipeline_mode<synchronous>, transform_indices = @transform_3, window_bounds = array<i64: 1, 75, 512>}, {transform_indices = @transform_4, window_bounds = array<i64: 125, 3, 512>}, {transform_indices = @transform_5, window_bounds = array<i64: 125, 8, 512>}, {pipeline_mode = #tpu.pipeline_mode<synchronous>, transform_indices = @transform_6, window_bounds = array<i64: 69, 512>}]} {
    %get3A = arith.constant 0 : index
    %get3A_0 = arith.constant 0 : index
    %get3A_1 = arith.constant 0 : index
    %get3A_2 = vector.load %arg2[%get3A, %get3A_0, %get3A_1] : memref<1x1x512xf32, #tpu.memory_space<vmem>>, vector<1x1x512xf32>
    %get3A_3 = vector.shape_cast %get3A_2 : vector<1x1x512xf32> to vector<1x512xf32>
    %broadcast_in_dim3A = vector.shape_cast %get3A_3 : vector<1x512xf32> to vector<1x1x512xf32>
    %broadcast_in_dim3A_4 = vector.shape_cast %broadcast_in_dim3A : vector<1x1x512xf32> to vector<1x1x512xf32>
    %broadcast_in_dim3A_5 = vector.broadcast %broadcast_in_dim3A_4 : vector<1x1x512xf32> to vector<125x1x512xf32>
    %swap3A = arith.constant 0 : index
    %swap3A_6 = arith.constant 0 : index
    %swap3A_7 = arith.constant 0 : index
    %swap3A_8 = vector.load %arg6[%swap3A, %swap3A_6, %swap3A_7] : memref<125x8x512xf32, #tpu.memory_space<vmem>>, vector<125x1x512xf32>
    tpu.vector_store %arg6[%swap3A, %swap3A_6, %swap3A_7], %broadcast_in_dim3A_5 {strides = array<i32>} : memref<125x8x512xf32, #tpu.memory_space<vmem>>, vector<125x1x512xf32>,
    %get3A_9 = arith.constant 0 : index
    %get3A_10 = arith.constant 0 : index
    %get3A_11 = arith.constant 0 : index
    %get3A_12 = vector.load %arg1[%get3A_9, %get3A_10, %get3A_11] : memref<1x5x512xf32, #tpu.memory_space<vmem>>, vector<1x3x512xf32>
    %get3A_13 = vector.shape_cast %get3A_12 : vector<1x3x512xf32> to vector<3x512xf32>
    %broadcast_in_dim3A_14 = vector.shape_cast %get3A_13 : vector<3x512xf32> to vector<1x3x512xf32>
    %broadcast_in_dim3A_15 = vector.shape_cast %broadcast_in_dim3A_14 : vector<1x3x512xf32> to vector<1x3x512xf32>
    %broadcast_in_dim3A_16 = vector.broadcast %broadcast_in_dim3A_15 : vector<1x3x512xf32> to vector<125x3x512xf32>
    %swap3A_17 = arith.constant 0 : index
    %swap3A_18 = arith.constant 1 : index
    %swap3A_19 = arith.constant 0 : index
    %swap3A_20 = vector.load %arg6[%swap3A_17, %swap3A_18, %swap3A_19] : memref<125x8x512xf32, #tpu.memory_space<vmem>>, vector<125x3x512xf32>
    tpu.vector_store %arg6[%swap3A_17, %swap3A_18, %swap3A_19], %broadcast_in_dim3A_16 {strides = array<i32>} : memref<125x8x512xf32, #tpu.memory_space<vmem>>, vector<125x3x512xf32>,
    %get3A_21 = arith.constant 0 : index
    %get3A_22 = arith.constant 0 : index
    %get3A_23 = arith.constant 0 : index
    %get3A_24 = vector.load %arg5[%get3A_21, %get3A_22, %get3A_23] : memref<125x3x512xf32, #tpu.memory_space<vmem>>, vector<125x3x512xf32>
    %swap3A_25 = arith.constant 0 : index
    %swap3A_26 = arith.constant 4 : index
    %swap3A_27 = arith.constant 0 : index
    %swap3A_28 = vector.load %arg6[%swap3A_25, %swap3A_26, %swap3A_27] : memref<125x8x512xf32, #tpu.memory_space<vmem>>, vector<125x3x512xf32>
    tpu.vector_store %arg6[%swap3A_25, %swap3A_26, %swap3A_27], %get3A_24 {strides = array<i32>} : memref<125x8x512xf32, #tpu.memory_space<vmem>>, vector<125x3x512xf32>,
    %get3A_29 = arith.constant 0 : index
    %get3A_30 = arith.constant 3 : index
    %get3A_31 = arith.constant 0 : index
    %get3A_32 = vector.load %arg1[%get3A_29, %get3A_30, %get3A_31] : memref<1x5x512xf32, #tpu.memory_space<vmem>>, vector<1x1x512xf32>
    %get3A_33 = vector.shape_cast %get3A_32 : vector<1x1x512xf32> to vector<1x512xf32>
    %broadcast_in_dim3A_34 = vector.shape_cast %get3A_33 : vector<1x512xf32> to vector<1x1x512xf32>
    %broadcast_in_dim3A_35 = vector.shape_cast %broadcast_in_dim3A_34 : vector<1x1x512xf32> to vector<1x1x512xf32>
    %broadcast_in_dim3A_36 = vector.broadcast %broadcast_in_dim3A_35 : vector<1x1x512xf32> to vector<125x1x512xf32>
    %swap3A_37 = arith.constant 0 : index
    %swap3A_38 = arith.constant 7 : index
    %swap3A_39 = arith.constant 0 : index
    %swap3A_40 = vector.load %arg6[%swap3A_37, %swap3A_38, %swap3A_39] : memref<125x8x512xf32, #tpu.memory_space<vmem>>, vector<125x1x512xf32>
    tpu.vector_store %arg6[%swap3A_37, %swap3A_38, %swap3A_39], %broadcast_in_dim3A_36 {strides = array<i32>} : memref<125x8x512xf32, #tpu.memory_space<vmem>>, vector<125x1x512xf32>,
    %get3A_41 = arith.constant 0 : index
    %get3A_42 = arith.constant 4 : index
    %get3A_43 = arith.constant 0 : index
    %get3A_44 = vector.load %arg1[%get3A_41, %get3A_42, %get3A_43] : memref<1x5x512xf32, #tpu.memory_space<vmem>>, vector<1x1x512xf32>
    %get3A_45 = vector.shape_cast %get3A_44 : vector<1x1x512xf32> to vector<1x512xf32>
    %swap3A_46 = arith.constant 0 : index
    %swap3A_47 = arith.constant 0 : index
    %swap3A_48 = vector.load %arg7[%swap3A_46, %swap3A_47] : memref<69x512xf32, #tpu.memory_space<vmem>>, vector<1x512xf32>
    tpu.vector_store %arg7[%swap3A_46, %swap3A_47], %get3A_45 {strides = array<i32>} : memref<69x512xf32, #tpu.memory_space<vmem>>, vector<1x512xf32>,
    %get3A_49 = arith.constant 0 : index
    %get3A_50 = arith.constant 0 : index
    %get3A_51 = arith.constant 0 : index
    %get3A_52 = vector.load %arg3[%get3A_49, %get3A_50, %get3A_51] : memref<1x1x512xf32, #tpu.memory_space<vmem>>, vector<1x1x512xf32>
    %get3A_53 = vector.shape_cast %get3A_52 : vector<1x1x512xf32> to vector<1x512xf32>
    %swap3A_54 = arith.constant 1 : index
    %swap3A_55 = arith.constant 0 : index
    %swap3A_56 = vector.load %arg7[%swap3A_54, %swap3A_55] : memref<69x512xf32, #tpu.memory_space<vmem>>, vector<1x512xf32>
    tpu.vector_store %arg7[%swap3A_54, %swap3A_55], %get3A_53 {strides = array<i32>} : memref<69x512xf32, #tpu.memory_space<vmem>>, vector<1x512xf32>,
    %get3A_57 = arith.constant 0 : index
    %get3A_58 = arith.constant 0 : index
    %get3A_59 = arith.constant 0 : index
    %get3A_60 = vector.load %arg4[%get3A_57, %get3A_58, %get3A_59] : memref<1x75x512xf32, #tpu.memory_space<vmem>>, vector<1x67x512xf32>
    %get3A_61 = vector.shape_cast %get3A_60 : vector<1x67x512xf32> to vector<67x512xf32>
    %swap3A_62 = arith.constant 2 : index
    %swap3A_63 = arith.constant 0 : index
    %swap3A_64 = vector.load %arg7[%swap3A_62, %swap3A_63] : memref<69x512xf32, #tpu.memory_space<vmem>>, vector<67x512xf32>
    tpu.vector_store %arg7[%swap3A_62, %swap3A_63], %get3A_61 {strides = array<i32>} : memref<69x512xf32, #tpu.memory_space<vmem>>, vector<67x512xf32>,
    return
  }
  func.func @transform_0(%arg0: i32) -> (i32, i32, i32) {
    %c0_i32 = arith.constant 0 : i32
    %c0_i32_0 = arith.constant 0 : i32
    %c0_i32_1 = arith.constant 0 : i32
    %c0_i32_2 = arith.constant 0 : i32
    return %c0_i32, %c0_i32_0, %c0_i32_1 : i32, i32, i32
  }
  func.func @transform_1(%arg0: i32) -> (i32, i32, i32) {
    %c0_i32 = arith.constant 0 : i32
    %c0_i32_0 = arith.constant 0 : i32
    %c0_i32_1 = arith.constant 0 : i32
    %c0_i32_2 = arith.constant 0 : i32
    return %c0_i32, %c0_i32_0, %c0_i32_1 : i32, i32, i32
  }
  func.func @transform_2(%arg0: i32) -> (i32, i32, i32) {
    %c0_i32 = arith.constant 0 : i32
    %c0_i32_0 = arith.constant 0 : i32
    %c0_i32_1 = arith.constant 0 : i32
    %c0_i32_2 = arith.constant 0 : i32
    return %c0_i32, %c0_i32_0, %c0_i32_1 : i32, i32, i32
  }
  func.func @transform_3(%arg0: i32) -> (i32, i32, i32) {
    %c0_i32 = arith.constant 0 : i32
    %c0_i32_0 = arith.constant 0 : i32
    %c0_i32_1 = arith.constant 0 : i32
    %c0_i32_2 = arith.constant 0 : i32
    return %c0_i32, %c0_i32_0, %c0_i32_1 : i32, i32, i32
  }
  func.func @transform_4(%arg0: i32) -> (i32, i32, i32) {
    %c0_i32 = arith.constant 0 : i32
    %c0_i32_0 = arith.constant 0 : i32
    %c0_i32_1 = arith.constant 0 : i32
    return %arg0, %c0_i32, %c0_i32_0 : i32, i32, i32
  }
  func.func @transform_5(%arg0: i32) -> (i32, i32, i32) {
    %c0_i32 = arith.constant 0 : i32
    %c0_i32_0 = arith.constant 0 : i32
    %c0_i32_1 = arith.constant 0 : i32
    return %arg0, %c0_i32, %c0_i32_0 : i32, i32, i32
  }
  func.func @transform_6(%arg0: i32) -> (i32, i32) {
    %c0_i32 = arith.constant 0 : i32
    %c0_i32_0 = arith.constant 0 : i32
    %c0_i32_1 = arith.constant 0 : i32
    return %c0_i32, %c0_i32_0 : i32, i32
  }
}

</mosaic_0001>

<sc_bundles>
// kernel: kernel.4.cloned.1.call-start
scs
__scs_entry_jumppad:
0x0: {  	(pc) =	sbr.rel $0x88, $3  }
0x1: {  	(tag) =	ssettag $0x0;
	lr =	simm.s32 $0x1  }
0x2: {  	[smem:$0x3F9C] =	sst lr;
	_ =	strace $0xD0000000  }
0x3: {  	_ = 	snop  }
0x4: {  	_ = 	snop  }
0x5: {  	_ = 	snop  }
0x6: {  	_ = 	snop  }
0x7: {  	_ = 	snop  }
__scs_overlays_trampoline_lowered:
0x8: {  	[smem:$0x3FAB] =	sst s0  }
0x9: {  	[smem:$0x3FAC] =	sst s1  }
0xa: {  	[smem:$0x3FAD] =	sst s2  }
0xb: {  	[smem:$0x3FAE] =	sst s3  }
0xc: {  	[smem:$0x3FAF] =	sst s4  }
0xd: {  	[smem:$0x3FB0] =	sst s5  }
0xe: {  	[smem:$0x3FB1] =	sst s6  }
0xf: {  	[smem:$0x3FB2] =	sst s7  }
0x10: {  	[smem:$0x3FB3] =	sst s8  }
0x11: {  	[smem:$0x3FB4] =	sst s9;
	s0 =	simm.s32 @!p0 $0x0  }
0x12: {  	s1 =	sld [smem:$0x3F9A];
	s0 =	simm.s32 @p0 $0x1  }
0x13: {  	[smem:$0x3FB5] =	sst s0;
	s0 =	simm.s32 @!p1 $0x0  }
0x14: {  	s2 =	sld [smem:$0x3F99];
	s0 =	simm.s32 @p1 $0x1  }
0x15: {  	[smem:$0x3FB6] =	sst s0;
	s0 =	simm.s32 @!p2 $0x0  }
0x16: {  	s3 =	sld [smem:$0x3FDB];
	s0 =	simm.s32 @p2 $0x1  }
0x17: {  	s4 =	simm.s32 $0x1BF5;
	[smem:$0x3FB8] =	sst s0  }
0x18: {  	s0 =	sld [smem:$0x3F9B];
	_ =	swait.ge [sflag:s4], $0x0  }
0x19: {  	s7 =	sld [smem:$0x3F9C]  }
0x1a: {  	s8 =	sadd.s32 $0xFFFFE003, lr  }
0x1b: {  	s9 =	sadd.s32 $0xFFFFFEF7, lr;
	s5 =	simm.s32 $0xFFFFFFFF;
	p2 =	slt.u32 s8, $0xFFFFF086  }
0x1c: {  	p1 =	slt.u32 s9, $0xF7A;
	s5 =	simm.s32 @!p2 $0x0  }
0x1d: {  	s5 =	simm.s32 @p1 $0x1;
	p0 =	seq.s32 s7, s2  }
0x1e: {  	s7 =	smul.u32 @!p0 $0xF7A, s2;
	p2 =	seq.s32 @!p0 s5, $0x0  }
0x1f: {  	s9 =	smul.u32 $0xF7A, s1;
	s8 =	simm.s32 @!p0 $0x1BF5;
	p2 =	por !p2, p0  }
0x20: {  	[sflag:s8] =	ssyncset.s32 @!p0 $0xFFFFF086;
	s6 =	sadd.s32 @!p0 s3, s7;
	s7 =	simm.s32 @!p0 $0x108  }
0x21: {  	s3 =	sadd.s32 s3, s9;
	s6 =	sadd.s32 @!p0 $0x88, s6;
	s7 =	simm.s32 @p2 $0x1082  }
0x22: {  	[simem:s7], [sflag:s8] =	dma.local @!p0 [hbm:s6], $0xF7A  }
0x23: {  	s9 =	sor.u32 $0xD0000000, s2;
	s6 =	simm.s32 $0x108;
	_ =	swait.ge @!p0 [sflag:s8], $0x0  }
0x24: {  	s3 =	sadd.s32 $0x88, s3;
	s6 =	simm.s32 @!p1 $0x1082;
	[sflag:s4] =	ssyncset.s32 $0xFFFFF086  }
0x25: {  	[simem:s6], [sflag:s4] =	dma.local [hbm:s3], $0xF7A  }
0x26: {  	[smem:$0x3F9C] =	sst s1;
	(tag) =	ssettag s2;
	_ =	strace s9  }
0x27: {  	s1 =	sld [smem:$0x3FAC]  }
0x28: {  	s2 =	sld [smem:$0x3FAD]  }
0x29: {  	s4 =	sld [smem:$0x3FAF]  }
0x2a: {  	p0 =	seq.s32 s5, $0x0;
	s5 =	sld [smem:$0x3FB0]  }
0x2b: {  	s6 =	sld [smem:$0x3FB1]  }
0x2c: {  	s7 =	sld [smem:$0x3FB2]  }
0x2d: {  	s3 =	simm.s32 $0x108;
	s8 =	sld [smem:$0x3FB3]  }
0x2e: {  	s3 =	simm.s32 @!p0 $0x1082;
	s9 =	sld [smem:$0x3FB4]  }
0x2f: {  	lr =	sadd.s32 s0, s3;
	s0 =	sld [smem:$0x3FAB]  }
0x30: {  	s3 =	sld [smem:$0x3FAE]  }
0x31: {  	[smem:$0x3FB7] =	sst s10  }
0x32: {  	s10 =	sld [smem:$0x3FB5];
	_ =	sdelay $0x3  }
0x33: {  	p0 =	seq.s32 s10, $0x1;
	s10 =	sld [smem:$0x3FB7];
	_ =	sdelay $0x3  }
0x34: {  	[smem:$0x3FB7] =	sst s10  }
0x35: {  	s10 =	sld [smem:$0x3FB6];
	_ =	sdelay $0x3  }
0x36: {  	p1 =	seq.s32 s10, $0x1;
	s10 =	sld [smem:$0x3FB7];
	_ =	sdelay $0x3  }
0x37: {  	[smem:$0x3FB7] =	sst s10  }
0x38: {  	s10 =	sld [smem:$0x3FB8]  }
0x39: {  	_ = 	snop;
	(pc) =	sbr.ind lr, $3  }
0x3a: {  	_ = 	snop  }
0x3b: {  	_ = 	snop  }
0x3c: {  	p2 =	seq.s32 s10, $0x1;
	s10 =	sld [smem:$0x3FB7]  }
0x3d: {  	_ =	shalt  }
0x3e: {  	_ =	shalt  }
0x3f: {  	_ =	shalt  }
0x40: {  	_ =	shalt  }
0x41: {  	_ =	shalt  }
0x42: {  	_ =	shalt  }
0x43: {  	_ =	shalt  }
0x44: {  	_ =	shalt  }
0x45: {  	_ =	shalt  }
0x46: {  	_ =	shalt  }
0x47: {  	_ =	shalt  }
0x48: {  	_ =	shalt  }
0x49: {  	_ =	shalt  }
0x4a: {  	_ =	shalt  }
0x4b: {  	_ =	shalt  }
0x4c: {  	_ =	shalt  }
0x4d: {  	_ =	shalt  }
0x4e: {  	_ =	shalt  }
0x4f: {  	_ =	shalt  }
0x50: {  	_ =	shalt  }
0x51: {  	_ =	shalt  }
0x52: {  	_ =	shalt  }
0x53: {  	_ =	shalt  }
0x54: {  	_ =	shalt  }
0x55: {  	_ =	shalt  }
0x56: {  	_ =	shalt  }
0x57: {  	_ =	shalt  }
0x58: {  	_ =	shalt  }
0x59: {  	_ =	shalt  }
0x5a: {  	_ =	shalt  }
0x5b: {  	_ =	shalt  }
0x5c: {  	_ =	shalt  }
0x5d: {  	_ =	shalt  }
0x5e: {  	_ =	shalt  }
0x5f: {  	_ =	shalt  }
0x60: {  	_ =	shalt  }
0x61: {  	_ =	shalt  }
0x62: {  	_ =	shalt  }
0x63: {  	_ =	shalt  }
0x64: {  	_ =	shalt  }
0x65: {  	_ =	shalt  }
0x66: {  	_ =	shalt  }
0x67: {  	_ =	shalt  }
0x68: {  	_ =	shalt  }
0x69: {  	_ =	shalt  }
0x6a: {  	_ =	shalt  }
0x6b: {  	_ =	shalt  }
0x6c: {  	_ =	shalt  }
0x6d: {  	_ =	shalt  }
0x6e: {  	_ =	shalt  }
0x6f: {  	_ =	shalt  }
0x70: {  	_ =	shalt  }
0x71: {  	_ =	shalt  }
0x72: {  	_ =	shalt  }
0x73: {  	_ =	shalt  }
0x74: {  	_ =	shalt  }
0x75: {  	_ =	shalt  }
0x76: {  	_ =	shalt  }
0x77: {  	_ =	shalt  }
0x78: {  	_ =	shalt  }
0x79: {  	_ =	shalt  }
0x7a: {  	_ =	shalt  }
0x7b: {  	_ =	shalt  }
0x7c: {  	_ =	shalt  }
0x7d: {  	_ =	shalt  }
0x7e: {  	_ =	shalt  }
0x7f: {  	_ =	shalt  }
0x80: {  	_ =	shalt  }
0x81: {  	_ =	shalt  }
0x82: {  	_ =	shalt  }
0x83: {  	_ =	shalt  }
0x84: {  	_ =	shalt  }
0x85: {  	_ =	shalt  }
0x86: {  	_ =	shalt  }
0x87: {  	_ =	shalt  }
.Lfunc_end0:
.L_simem_size_0:
called_computation_lowered:
.L_overlay_start_0:
0x88: {  	s2 =	sld [smem:$0x3FD9]  }
0x89: {  	s3 =	sld [smem:$0x3FFE];
	_ =	sdelay $0x1  }
0x8a: {  	s1 =	srdreg.scid  }
0x8b: {  	s0 =	sand.u32 $0x1, s1  }
0x8c: {  	s17 =	sshll.u32 s0, $0xA;
	s2 =	sadd.s32 s3, s2  }
0x8d: {  	s2 =	sadd.s32 s2, s17  }
0x8e: {  	[smem:$0x3FC3] =	sst s2  }
0x8f: {  	_ = 	snop  }
0x90: {  	s2 =	sld [smem:$0x3FD0];
	(tm) =	ssettm $0x1  }
0x91: {  	s18 =	sld [smem:$0x3FFB];
	_ =	sdelay $0x3  }
0x92: {  	_ =	strace s18  }
0x93: {  	s3 =	sld [smem:$0x3FFC];
	_ =	sdelay $0x3  }
0x94: {  	_ =	strace s3  }
0x95: {  	s3 =	sld [smem:$0x3FFD];
	_ =	sdelay $0x3  }
0x96: {  	_ =	strace s3  }
0x97: {  	_ =	strace $0x8FFFFFFF  }
0x98: {  	s19 =	sld [smem:$0x3FDB];
	_ =	sdelay $0x1  }
0x99: {  	s4 =	simm.s32 $_scs_section_size  }
0x9a: {  	s5 =	simm.s32 $_size__tile_overlayer_lowered;
	s6 =	simm.s32 $_tile_overlayer_lowered  }
0x9b: {  	s22 =	simm.s32 $0x1BFF;
	s21 =	sshll.u32 s6, $0x1;
	s3 =	sadd.s32 s4, s19  }
0x9c: {  	s7 =	simm.s32 $0x0;
	s20 =	sshll.u32 s5, $0x1;
	s5 =	sadd.s32 s21, s3  }
0x9d: {  	[timem:s7], [sflag:s22] =	dma.local [hbm:s5], s20  }
0x9e: {  	_ =	swait.ge [sflag:s22], s20  }
0x9f: {  	s4 =	ssub.s32 $0x0, s20;
	[sflag:s22] =	ssyncset.done $0x0  }
0xa0: {  	[sflag:s22] =	ssyncadd.s32 s4;
	_ =	sdelay $0x1  }
0xa1: {  	s23 =	simm.s32 $0x1B8B  }
0xa2: {  	_ =	swait.ge [sflag:s23], $0x1  }
0xa3: {  	[sflag:s23] =	ssyncset.done $0x0  }
0xa4: {  	s25 =	simm.s32 $0x1B8E;
	s24 =	sld [smem:$0x3FFE];
	[sflag:s23] =	ssyncadd.s32 $0xFFFFFFFF  }
0xa5: {  	s26 =	simm.s32 $execute0_lowered;
	[smem:$0x3FD2] =	sst s25  }
0xa6: {  	s5 =	sshll.u32 s26, $0x1;
	_ =	strace $0x80000046;
	[dreg:$0x1] =	wrdreg $0xFFFFFFFF  }
0xa7: {  	s28 =	simm.s32 $_size_execute0_lowered;
	s3 =	sadd.s32 s3, s5;
	[dreg:$0x0] =	wrdreg $0x0  }
0xa8: {  	s5 =	sshll.u32 s28, $0x1;
	[dreg:$0x2] =	wrdreg s3  }
0xa9: {  	[dreg:$0x3] =	wrdreg s5  }
0xaa: {  	[dreg:$0x4] =	wrdreg $0xC0  }
0xab: {  	_ =	task [dreg:s7], $0x5FFFF  }
0xac: {  	[dreg:$0x1] =	wrdreg $0xFFFFFFFF  }
0xad: {  	[dreg:$0x0] =	wrdreg $0x60  }
0xae: {  	[dreg:$0x2] =	wrdreg s2  }
0xaf: {  	[dreg:$0x3] =	wrdreg s24  }
0xb0: {  	[dreg:$0x4] =	wrdreg $0x9  }
0xb1: {  	_ =	task.clear_ibuf [dreg:s7], $0x5FFFF;
	_ =	strace $0x90000046  }
0xb2: {  	s29 =	simm.s32 $0x9;
	_ =	strace $0x80000048  }
0xb3: {  	_ =	swait.ge [sflag:s29], $0x1  }
0xb4: {  	[sflag:s29] =	ssyncadd.s32 $0xFFFFFFFF  }
0xb5: {  	_ =	strace $0x90000048  }
0xb6: {  	_ =	sfence  }
0xb7: {  	s30 =	sld [smem:$0x0];
	_ =	sdelay $0x2  }
0xb8: {  	s31 =	sshll.u32 s1, $0xD;
	s1 =	sshrl.u32 s1, $0x2  }
0xb9: {  	s3 =	sand.u32 $0x4000, s31;
	s1 =	sadd.s32 s1, s30  }
0xba: {  	s0 =	sor.u32 s3, s0;
	s1 =	sshll.u32 s1, $0x11  }
0xbb: {  	s0 =	sor.u32 s1, s0  }
0xbc: {  	s0 =	sadd.s32 $0x8F2B, s0  }
0xbd: {  	[sflag:s0] =	ssyncadd.remote.s32 $0x1  }
0xbe: {  	_ =	sfence.sel $0xFFFF  }
0xbf: {  	[dreg:$0x0] =	wrdreg $0xFFFFFFFF;
	(pc) =	sbr.abs _section_cstart, $3  }
0xc0: {  	[dreg:$0x1] =	wrdreg $0xFFFFFFFF  }
0xc1: {  	_ =	task.clear_ibuf [dreg:s7], $0x2FFFF;
	_ =	strace $0x9FFFFFFF  }
0xc2: {  	(tm) =	ssettm $0x7FFFFFFF  }
0xc3: {  	_ =	shalt  }
tec
execute0_lowered:
.L_overlay_start_1:
0x0: {  	(tag) =	ssettag $0x1  }
0x1: {  	s5 =	rddreg [dreg:$0x0]  }
0x2: {  	s4 =	rddreg [dreg:$0x1]  }
0x3: {  	s0 =	rddreg [dreg:$0x2]  }
0x4: {  	s3 =	srdreg.scid;
	s2 =	simm.s32 $0x0;
	s1 =	stileid.u32  }
0x5: {  	s6 =	sand.u32 $0x1, s3;
	[smem:$0x7FF] =	sst s2;
	s7 =	smul.u32 $0x2800, s1  }
0x6: {  	s3 =	sadd.s32 $0xC00, s4;
	s29 =	sshll.u32 s1, $0xA;
	s8 =	ssub.s32 $0x2, s6  }
0x7: {  	_ =	strace $0x80000047;
	s30 =	smul.u32 $0x1400, s6;
	s11 =	sshll.u32 s6, $0x9  }
0x8: {  	s9 =	sshrl.u32 s8, $0x1;
	s10 =	sadd.s32 s7, s4;
	s4 =	sshll.u32 s1, $0x1  }
0x9: {  	s28 =	ssub.s32 s8, s9;
	s8 =	sadd.s32 s29, s5;
	s5 =	ssub.s32 $0x3E8, s4  }
0xa: {  	s31 =	sadd.s32 s30, s10;
	s9 =	simm.s32 $0x2;
	s10 =	simm.s32 $0x0  }
0xb: {  	s6 =	smax.u32 s28, $0x1;
	s7 =	sadd.s32 s11, s8;
	s8 =	sadd.s32 $0x2000, s31  }
.LBB2_1:
0xc: {  	[tilespmem:s2], [sflag:$0x2] =	stream.linear.gather [hbm4b:s3+s2], $0x9000, $0x38;
	[tilespmem:$0x9000] =	vst v63  }
0xd: {  	s11 =	sadd.s32 $0x0, s4  }
0xe: {  	s13 =	sadd.s32 $0x28000, s8;
	_ =	swait.ge [sflag:s9], $0x9000;
	p0 =	sgt.u32 s11, $0x3E7  }
0xf: {  	s14 =	smov.u32 s8;
	[sflag:s9] =	ssyncset.done $0x0;
	s11 =	sshll.u32 @!p0 s1, $0x6  }
0x10: {  	s12 =	sadd.s32 @!p0 $0xFFFFFE00, s8;
	[sflag:s9] =	ssyncadd.s32 $0xFFFF7000;
	s11 =	sor.u32 @!p0 $0x1C01, s11  }
0x11: {  	[hbm:s12], [sflag:s11] =	dma.local @!p0 [hbm:s7], $0x200  }
0x12: {  	s15 =	simm.s32 @!p0 $0x0;
	s11 =	simm.s32 $0x20;
	s12 =	sadd.s32 $0x4000, s7  }
.LBB2_2:
0x13: {  	[hbm4b:s14+s15] =	stream.linear.scatter @!p0 [tilespmem:s15], [sflag:$0x1], $0x9000, $0x38;
	[tilespmem:$0x9000] =	vst v63  }
0x14: {  	s15 =	sadd.s32 s11, s4;
	s11 =	sadd.s32 $0x20, s11  }
0x15: {  	s16 =	smov.u32 s12;
	s14 =	smov.u32 s13;
	p1 =	sne.s32 s11, $0x400  }
.Ltmp0:
0x16: {  	(pc) =	sbr.rel @p1 .LBB2_2-.Ltmp0, $4  }
0x17: {  	p0 =	sgt.u32 s15, $0x3E7  }
0x18: {  	s12 =	sadd.s32 $0x4000, s12;
	s13 =	sadd.s32 $0x28000, s13;
	s15 =	sshll.u32 @!p0 s1, $0x6  }
0x19: {  	s17 =	sadd.s32 @!p0 $0xFFFFFE00, s14;
	s18 =	sor.u32 @!p0 $0x1C01, s15;
	s15 =	simm.s32 @!p0 $0x0  }
0x1a: {  	[hbm:s17], [sflag:s18] =	dma.local @!p0 [hbm:s16], $0x200  }
0x1b: {  	[hbm4b:s14+s15] =	stream.linear.scatter @!p0 [tilespmem:s15], [sflag:$0x1], $0x9000, $0x38;
	[tilespmem:$0x9000] =	vst v63  }
0x1c: {  	p0 =	sle.u32 s5, $0x0  }
0x1d: {  	s11 =	simm.s32 @!p0 $0x1;
	p0 =	por p0, p0  }
0x1e: {  	_ =	swait.ge @!p0 [sflag:s11], $0x200  }
0x1f: {  	[sflag:s11] =	ssyncset.done @!p0 $0x0  }
0x20: {  	[sflag:s11] =	ssyncadd.s32 @!p0 $0xFFFFFE00  }
0x21: {  	_ =	swait.ge @!p0 [sflag:s11], $0x9000  }
0x22: {  	s12 =	simm.s32 $0x40;
	p1 =	sle.u32 s5, $0x20;
	[sflag:s11] =	ssyncset.done @!p0 $0x0  }
.LBB2_4:
0x23: {  	[sflag:s11] =	ssyncadd.s32 @!p0 $0xFFFF7000;
	s13 =	smov.u32 s12;
	s12 =	sadd.s32 $0x20, s12  }
0x24: {  	s11 =	simm.s32 @!p1 $0x1;
	p0 =	por p1, p1;
	p2 =	sne.s32 s12, $0x400  }
.Ltmp1:
0x25: {  	_ =	swait.ge @!p0 [sflag:s11], $0x200;
	(pc) =	sbr.rel @p2 .LBB2_4-.Ltmp1, $4  }
0x26: {  	[sflag:s11] =	ssyncset.done @!p0 $0x0  }
0x27: {  	[sflag:s11] =	ssyncadd.s32 @!p0 $0xFFFFFE00  }
0x28: {  	_ =	swait.ge @!p0 [sflag:s11], $0x9000  }
0x29: {  	p1 =	sge.u32 s13, s5;
	[sflag:s11] =	ssyncset.done @!p0 $0x0  }
0x2a: {  	s12 =	simm.s32 @!p1 $0x1  }
0x2b: {  	[sflag:s11] =	ssyncadd.s32 @!p0 $0xFFFF7000;
	p0 =	por p1, p1;
	s10 =	sadd.s32 $0x1, s10  }
0x2c: {  	_ =	swait.ge @!p0 [sflag:s12], $0x200;
	p1 =	sne.s32 s10, s6  }
.Ltmp2:
0x2d: {  	[sflag:s12] =	ssyncset.done @!p0 $0x0;
	(pc) =	sbr.rel @p1 .LBB2_1-.Ltmp2, $4  }
0x2e: {  	[sflag:s12] =	ssyncadd.s32 @!p0 $0xFFFFFE00  }
0x2f: {  	_ =	swait.ge @!p0 [sflag:s12], $0x9000  }
0x30: {  	[sflag:s12] =	ssyncset.done @!p0 $0x0  }
0x31: {  	[sflag:s12] =	ssyncadd.s32 @!p0 $0xFFFF7000  }
0x32: {  	_ =	sfence.sel $0x180000  }
0x33: {  	[bflag:$0x0] =	sbarrier.arrive $0xFFFF  }
0x34: {  	p0 =	sne.s32 s1, $0x0;
	_ =	strace $0x90000047  }
0x35: {  	s0 =	sadd.s32 @!p0 $0x100000, s0;
	[bflag:$0x2] =	sbarrier.arrive $0xFFFF  }
0x36: {  	[sflag:s0] =	ssyncadd.tile.s32 @!p0 $0x1;
	_ =	shalt  }
.Lfunc_end2:
_tile_overlayer_lowered:
.L_overlay_start_2:
0x37: {  	(tag) =	ssettag $0x2  }
0x38: {  	s0 =	rddreg [dreg:$0x0];
	s2 =	stileid.u32  }
0x39: {  	s1 =	rddreg [dreg:$0x1];
	p0 =	sne.s32 s2, $0x0  }
0x3a: {  	s3 =	rddreg [dreg:$0x2];
	[bflag:$0x3] =	sbarrier.arrive $0xFFFF;
	s2 =	simm.s32 @!p0 $0x1C02  }
0x3b: {  	[timem:s3], [sflag:s2] =	dma.local @!p0 [hbm:s0], s1  }
0x3c: {  	s0 =	simm.s32 @!p0 $0x2  }
0x3d: {  	_ =	swait.ge @!p0 [sflag:s0], s1  }
0x3e: {  	s1 =	ssub.s32 @!p0 $0x0, s1;
	[sflag:s0] =	ssyncset.done @!p0 $0x0  }
0x3f: {  	[sflag:s0] =	ssyncadd.s32 @!p0 s1  }
0x40: {  	[bflag:$0x3] =	sbarrier.arrive $0xFFFF  }
0x41: {  	_ =	shalt  }

</sc_bundles>
